<compile_context>
chip_gen: v7x
topology: tpu7x:2x2x1
jax: 0.10.2.dev20260603
libtpu: 0.0.44.dev20260713+nightly
codegen_flags: <defaults>
</compile_context>

<pallas_src>
import functools

import jax
import jax.numpy as jnp
from jax import lax
from jax.experimental import pallas as pl
from jax.experimental.pallas import tpu as pltpu
from jax.experimental.pallas import tpu_sc as plsc

N_TOKENS = 9216
N_CODES = 8192
FDIM = 64

BM = 512
BN = 512
NT = N_CODES // BN


_NWIN = 4
_WTILES = NT // _NWIN


def _argmin_body(x2_ref, xsq_ref, embT_ref, esq_ref, idx_ref, rmin_ref, ridx_ref):
    x2 = x2_ref[...]
    xsq = xsq_ref[...]
    wins = []

    for h in range(_NWIN):
        rmin_ref[...] = jnp.full((BM, BN), jnp.inf, jnp.float32)
        ridx_ref[...] = jnp.zeros((BM, BN), jnp.int32)

        def body(t, carry):
            off = h * _WTILES + t
            embT_t = embT_ref[:, pl.ds(off * BN, BN)]
            mm2 = lax.dot_general(x2, embT_t, (((1,), (0,)), ((), ())),
                                  preferred_element_type=jnp.float32)
            d = (xsq + esq_ref[:, pl.ds(off * BN, BN)]) - mm2
            rmin = rmin_ref[...]
            mask = d < rmin
            rmin_ref[...] = jnp.where(mask, d, rmin)
            ridx_ref[...] = jnp.where(mask, lax.full((BM, BN), off, jnp.int32),
                                      ridx_ref[...])
            return carry

        lax.fori_loop(0, _WTILES, body, 0)

        rmin = rmin_ref[...]
        row_min = jnp.min(rmin, axis=1, keepdims=True)
        iota = lax.broadcasted_iota(jnp.int32, (BM, BN), 1)
        cand = jnp.where(rmin == row_min, ridx_ref[...] * BN + iota,
                         jnp.int32(2**30))
        wins.append((row_min, jnp.min(cand, axis=1, keepdims=True)))

    ms = wins[0][0].astype(jnp.bfloat16).astype(jnp.float32)
    idx = wins[0][1]
    for w in range(1, _NWIN):
        mw, iw = wins[w]
        pred = mw < ms
        ms = jnp.where(pred, mw.astype(jnp.bfloat16).astype(jnp.float32), ms)
        idx = jnp.where(pred, iw, idx)
    idx_ref[...] = idx


def _argmin_call(x2, xsq, embT, esq):
    return pl.pallas_call(
        _argmin_body,
        grid=(N_TOKENS // BM,),
        in_specs=[
            pl.BlockSpec((BM, FDIM), lambda i: (i, 0)),
            pl.BlockSpec((BM, 1), lambda i: (i, 0)),
            pl.BlockSpec((FDIM, N_CODES), lambda i: (0, 0)),
            pl.BlockSpec((1, N_CODES), lambda i: (0, 0)),
        ],
        out_specs=pl.BlockSpec((BM, 1), lambda i: (i, 0)),
        out_shape=jax.ShapeDtypeStruct((N_TOKENS, 1), jnp.int32),
        scratch_shapes=[
            pltpu.VMEM((BM, BN), jnp.float32),
            pltpu.VMEM((BM, BN), jnp.int32),
        ],
    )(x2, xsq, embT, esq)


_NW = 32
_BPW = N_TOKENS // _NW
_CHUNK = 96
_NCH = _BPW // _CHUNK


_GD = 128


def _gather_body(emb_hbm, idx_hbm, x_hbm, xq_hbm, part_hbm,
                 idx_v, rows_v, x_v, acc_v, sem):
    wid = lax.axis_index("s") * 2 + lax.axis_index("c")
    base = wid * _BPW

    for c in range(_NCH):
        pltpu.sync_copy(idx_hbm.at[pl.ds(base + c * _CHUNK, _CHUNK)],
                        idx_v.at[c])
    descs = [
        pltpu.async_copy(emb_hbm.at[idx_v.at[c]],
                         rows_v.at[pl.ds(c * _CHUNK, _CHUNK)], sem)
        for c in range(_NCH)
    ]
    pltpu.sync_copy(x_hbm.at[pl.ds(base, _BPW)], x_v)
    for d in descs:
        d.wait()
    pltpu.sync_copy(rows_v, xq_hbm.at[pl.ds(base, _BPW)])

    def body(r, acc):
        for c in range(FDIM // 16):
            acc = acc + jnp.abs(rows_v[r, pl.ds(c * 16, 16)]
                                - x_v[r, pl.ds(c * 16, 16)])
        return acc

    acc_v[...] = lax.fori_loop(0, _BPW, body, jnp.zeros((16,), jnp.float32))
    pltpu.sync_copy(acc_v, part_hbm.at[wid])


@functools.partial(jax.jit, static_argnums=())
def _gather_call(emb, idx, x_flat):
    mesh = plsc.VectorSubcoreMesh(core_axis_name="c", subcore_axis_name="s")
    f = pl.kernel(
        _gather_body,
        out_type=[
            jax.ShapeDtypeStruct((N_TOKENS, _GD), jnp.float32),
            jax.ShapeDtypeStruct((_NW, 16), jnp.float32),
        ],
        mesh=mesh,
        scratch_types=[
            pltpu.VMEM((_NCH, _CHUNK), jnp.int32),
            pltpu.VMEM((_BPW, _GD), jnp.float32),
            pltpu.VMEM((_BPW, FDIM), jnp.float32),
            pltpu.VMEM((16,), jnp.float32),
            pltpu.SemaphoreType.DMA,
        ],
    )
    return f(emb, idx, x_flat)


def kernel(x, emb):
    x_size = x.shape
    x_flat = x.reshape(-1, x_size[-1])
    xsq = jnp.sum(x_flat ** 2, axis=1, keepdims=True)
    esq = jnp.sum(emb ** 2, axis=1).reshape(1, N_CODES)
    x2 = x_flat * 2.0
    embT = emb.T

    idx = _argmin_call(x2, xsq, embT, esq).reshape(N_TOKENS)
    emb_p = jnp.pad(emb, ((0, 0), (0, _GD - FDIM)))
    x_q, part = _gather_call(emb_p, idx, x_flat)
    loss = jnp.sum(part) / jnp.float32(N_TOKENS * FDIM)
    return (loss, x_q[:, :FDIM].reshape(x_size))

# --- scband reference (transcript-rebuilt; emitter-appended) ---
"""Pipeline reference for scband-daibin-quantizer-84155589198328 (READ-ONLY COPY).

The authoritative reference and input builder live on the scoring server;
editing this copy changes nothing except your own understanding.
"""

import jax, jax.numpy as jnp
import numpy as np

FEATURE_DIM = 64
CODEBOOK_SIZE = 8192


def setup_inputs(seed: int = 0) -> dict:
    key = jax.random.key(seed)
    k1, k2 = jax.random.split(key)
    x = jax.random.normal(k1, (9216, FEATURE_DIM), dtype=jnp.float32)
    bnd = 1.0 / FEATURE_DIM
    emb = jax.random.uniform(k2, (CODEBOOK_SIZE, FEATURE_DIM), dtype=jnp.float32, minval=-bnd, maxval=bnd)
    return {"x": x, "emb": emb}


def reference(x, emb):
    x_size = x.shape
    x_flat = x.reshape(-1, x_size[-1])
    # squared L2 distance matrix: ||x||^2 + ||e||^2 - 2 x e^T
    d = (
        jnp.sum(x_flat ** 2, axis=1, keepdims=True)
        + jnp.sum(emb ** 2, axis=1)
        - 2.0 * jnp.matmul(x_flat, emb.T)
    )
    min_encoding_indices = jnp.argmin(d, axis=1)
    x_q = jnp.take(emb, min_encoding_indices, axis=0)
    loss = jnp.mean(jnp.abs(x_q - x_flat))
    x_q = x_q.reshape(x_size)
    return (loss, x_q)

if __name__ == "__main__":
    import jax
    _d = setup_inputs()
    print(jax.jit(kernel)(*tuple(_d.values())))

</pallas_src>

<mosaic_0001>
#map = affine_map<(d0, d1) -> (0, 0)>
#map1 = affine_map<(d0, d1) -> (0)>
module attributes {stable_mosaic.version = 14 : i64} {
  func.func @_gather_body(%arg0: i32, %arg1: i32, %arg2: memref<8192x128xf32, #tpu.memory_space<hbm>>, %arg3: memref<9216xi32, #tpu.memory_space<hbm>>, %arg4: memref<9216x64xf32, #tpu.memory_space<hbm>>, %arg5: memref<9216x128xf32, #tpu.memory_space<hbm>>, %arg6: memref<32x16xf32, #tpu.memory_space<hbm>>, %arg7: memref<3x96xi32, #tpu.memory_space<vmem>>, %arg8: memref<288x128xf32, #tpu.memory_space<vmem>>, %arg9: memref<288x64xf32, #tpu.memory_space<vmem>>, %arg10: memref<16xf32, #tpu.memory_space<vmem>>, %arg11: memref<!tpu.dma_semaphore, #tpu.memory_space<semaphore_mem>>) attributes {dimension_semantics = [#tpu.dimension_semantics<core_parallel>, #tpu.dimension_semantics<subcore_parallel>], iteration_bounds = array<i64: 2, 16>, scalar_prefetch = 0 : i64, scratch_operands = 5 : i64, tpu.core_type = #tpu.core_type<sc_vector_subcore>, window_params = [{transform_indices = #map}, {transform_indices = #map1}, {transform_indices = #map}, {transform_indices = #map}, {transform_indices = #map}]} {
    %mul3A = arith.constant 2 : i32
    %mul3A_0 = arith.muli %arg1, %mul3A : i32
    %add3A = arith.addi %mul3A_0, %arg0 : i32
    %mul3A_1 = arith.constant 288 : i32
    %mul3A_2 = arith.muli %add3A, %mul3A_1 : i32
    %add3A_3 = arith.constant 0 : i32
    %add3A_4 = arith.addi %mul3A_2, %add3A_3 : i32
    %run_scoped3A = arith.constant 0 : i32
    "tpu.region"() ({
      %run_scoped3A_78 = tpu.sem_alloc : memref<!tpu.dma_semaphore, #tpu.memory_space<semaphore_mem>>
      %dma_start3A_79 = arith.constant 0 : i32
      %dma_start3A_80 = tpu.memref_slice %arg7[%run_scoped3A, %dma_start3A_79] : memref<3x96xi32, #tpu.memory_space<vmem>> -> memref<1x96xi32, #tpu.memory_space<vmem>>
      %dma_start3A_81 = tpu.memref_squeeze %dma_start3A_80 : memref<1x96xi32, #tpu.memory_space<vmem>> -> memref<96xi32, #tpu.memory_space<vmem>>
      %dma_start3A_82 = tpu.memref_slice %arg3[%add3A_4] : memref<9216xi32, #tpu.memory_space<hbm>> -> memref<96xi32, #tpu.memory_space<hbm>>
      %dma_start3A_83 = arith.constant 0 : i32
      %dma_start3A_84 = tpu.memref_slice %arg7[%run_scoped3A, %dma_start3A_83] : memref<3x96xi32, #tpu.memory_space<vmem>> -> memref<1x96xi32, #tpu.memory_space<vmem>>
      %dma_start3A_85 = tpu.memref_squeeze %dma_start3A_84 : memref<1x96xi32, #tpu.memory_space<vmem>> -> memref<96xi32, #tpu.memory_space<vmem>>
      %dma_start3A_86 = tpu.memref_slice %arg3[%add3A_4] : memref<9216xi32, #tpu.memory_space<hbm>> -> memref<96xi32, #tpu.memory_space<hbm>>
      tpu.enqueue_dma source(%dma_start3A_86 : memref<96xi32, #tpu.memory_space<hbm>>) target(%dma_start3A_85 : memref<96xi32, #tpu.memory_space<vmem>>) target_semaphore(%run_scoped3A_78 : memref<!tpu.dma_semaphore, #tpu.memory_space<semaphore_mem>>)
      %dma_wait3A_87 = arith.constant 0 : i32
      %dma_wait3A_88 = tpu.memref_slice %arg7[%run_scoped3A, %dma_wait3A_87] : memref<3x96xi32, #tpu.memory_space<vmem>> -> memref<1x96xi32, #tpu.memory_space<vmem>>
      %dma_wait3A_89 = tpu.memref_squeeze %dma_wait3A_88 : memref<1x96xi32, #tpu.memory_space<vmem>> -> memref<96xi32, #tpu.memory_space<vmem>>
      %dma_wait3A_90 = tpu.memref_slice %arg3[%add3A_4] : memref<9216xi32, #tpu.memory_space<hbm>> -> memref<96xi32, #tpu.memory_space<hbm>>
      %dma_wait3A_91 = arith.constant 0 : i32
      %dma_wait3A_92 = tpu.memref_slice %arg7[%run_scoped3A, %dma_wait3A_91] : memref<3x96xi32, #tpu.memory_space<vmem>> -> memref<1x96xi32, #tpu.memory_space<vmem>>
      %dma_wait3A_93 = tpu.memref_squeeze %dma_wait3A_92 : memref<1x96xi32, #tpu.memory_space<vmem>> -> memref<96xi32, #tpu.memory_space<vmem>>
      %dma_wait3A_94 = tpu.memref_slice %arg3[%add3A_4] : memref<9216xi32, #tpu.memory_space<hbm>> -> memref<96xi32, #tpu.memory_space<hbm>>
      tpu.wait_dma2 semaphore(%run_scoped3A_78 : memref<!tpu.dma_semaphore, #tpu.memory_space<semaphore_mem>>) src(%dma_wait3A_94 : memref<96xi32, #tpu.memory_space<hbm>>) dst(%dma_wait3A_93 : memref<96xi32, #tpu.memory_space<vmem>>)
      tpu.yield
    }) : () -> ()
    %add3A_5 = arith.constant 96 : i32
    %add3A_6 = arith.addi %mul3A_2, %add3A_5 : i32
    %run_scoped3A_7 = arith.constant 1 : i32
    "tpu.region"() ({
      %run_scoped3A_78 = tpu.sem_alloc : memref<!tpu.dma_semaphore, #tpu.memory_space<semaphore_mem>>
      %dma_start3A_79 = arith.constant 0 : i32
      %dma_start3A_80 = tpu.memref_slice %arg7[%run_scoped3A_7, %dma_start3A_79] : memref<3x96xi32, #tpu.memory_space<vmem>> -> memref<1x96xi32, #tpu.memory_space<vmem>>
      %dma_start3A_81 = tpu.memref_squeeze %dma_start3A_80 : memref<1x96xi32, #tpu.memory_space<vmem>> -> memref<96xi32, #tpu.memory_space<vmem>>
      %dma_start3A_82 = tpu.memref_slice %arg3[%add3A_6] : memref<9216xi32, #tpu.memory_space<hbm>> -> memref<96xi32, #tpu.memory_space<hbm>>
      %dma_start3A_83 = arith.constant 0 : i32
      %dma_start3A_84 = tpu.memref_slice %arg7[%run_scoped3A_7, %dma_start3A_83] : memref<3x96xi32, #tpu.memory_space<vmem>> -> memref<1x96xi32, #tpu.memory_space<vmem>>
      %dma_start3A_85 = tpu.memref_squeeze %dma_start3A_84 : memref<1x96xi32, #tpu.memory_space<vmem>> -> memref<96xi32, #tpu.memory_space<vmem>>
      %dma_start3A_86 = tpu.memref_slice %arg3[%add3A_6] : memref<9216xi32, #tpu.memory_space<hbm>> -> memref<96xi32, #tpu.memory_space<hbm>>
      tpu.enqueue_dma source(%dma_start3A_86 : memref<96xi32, #tpu.memory_space<hbm>>) target(%dma_start3A_85 : memref<96xi32, #tpu.memory_space<vmem>>) target_semaphore(%run_scoped3A_78 : memref<!tpu.dma_semaphore, #tpu.memory_space<semaphore_mem>>)
      %dma_wait3A_87 = arith.constant 0 : i32
      %dma_wait3A_88 = tpu.memref_slice %arg7[%run_scoped3A_7, %dma_wait3A_87] : memref<3x96xi32, #tpu.memory_space<vmem>> -> memref<1x96xi32, #tpu.memory_space<vmem>>
      %dma_wait3A_89 = tpu.memref_squeeze %dma_wait3A_88 : memref<1x96xi32, #tpu.memory_space<vmem>> -> memref<96xi32, #tpu.memory_space<vmem>>
      %dma_wait3A_90 = tpu.memref_slice %arg3[%add3A_6] : memref<9216xi32, #tpu.memory_space<hbm>> -> memref<96xi32, #tpu.memory_space<hbm>>
      %dma_wait3A_91 = arith.constant 0 : i32
      %dma_wait3A_92 = tpu.memref_slice %arg7[%run_scoped3A_7, %dma_wait3A_91] : memref<3x96xi32, #tpu.memory_space<vmem>> -> memref<1x96xi32, #tpu.memory_space<vmem>>
      %dma_wait3A_93 = tpu.memref_squeeze %dma_wait3A_92 : memref<1x96xi32, #tpu.memory_space<vmem>> -> memref<96xi32, #tpu.memory_space<vmem>>
      %dma_wait3A_94 = tpu.memref_slice %arg3[%add3A_6] : memref<9216xi32, #tpu.memory_space<hbm>> -> memref<96xi32, #tpu.memory_space<hbm>>
      tpu.wait_dma2 semaphore(%run_scoped3A_78 : memref<!tpu.dma_semaphore, #tpu.memory_space<semaphore_mem>>) src(%dma_wait3A_94 : memref<96xi32, #tpu.memory_space<hbm>>) dst(%dma_wait3A_93 : memref<96xi32, #tpu.memory_space<vmem>>)
      tpu.yield
    }) : () -> ()
    %add3A_8 = arith.constant 192 : i32
    %add3A_9 = arith.addi %mul3A_2, %add3A_8 : i32
    %run_scoped3A_10 = arith.constant 2 : i32
    "tpu.region"() ({
      %run_scoped3A_78 = tpu.sem_alloc : memref<!tpu.dma_semaphore, #tpu.memory_space<semaphore_mem>>
      %dma_start3A_79 = arith.constant 0 : i32
      %dma_start3A_80 = tpu.memref_slice %arg7[%run_scoped3A_10, %dma_start3A_79] : memref<3x96xi32, #tpu.memory_space<vmem>> -> memref<1x96xi32, #tpu.memory_space<vmem>>
      %dma_start3A_81 = tpu.memref_squeeze %dma_start3A_80 : memref<1x96xi32, #tpu.memory_space<vmem>> -> memref<96xi32, #tpu.memory_space<vmem>>
      %dma_start3A_82 = tpu.memref_slice %arg3[%add3A_9] : memref<9216xi32, #tpu.memory_space<hbm>> -> memref<96xi32, #tpu.memory_space<hbm>>
      %dma_start3A_83 = arith.constant 0 : i32
      %dma_start3A_84 = tpu.memref_slice %arg7[%run_scoped3A_10, %dma_start3A_83] : memref<3x96xi32, #tpu.memory_space<vmem>> -> memref<1x96xi32, #tpu.memory_space<vmem>>
      %dma_start3A_85 = tpu.memref_squeeze %dma_start3A_84 : memref<1x96xi32, #tpu.memory_space<vmem>> -> memref<96xi32, #tpu.memory_space<vmem>>
      %dma_start3A_86 = tpu.memref_slice %arg3[%add3A_9] : memref<9216xi32, #tpu.memory_space<hbm>> -> memref<96xi32, #tpu.memory_space<hbm>>
      tpu.enqueue_dma source(%dma_start3A_86 : memref<96xi32, #tpu.memory_space<hbm>>) target(%dma_start3A_85 : memref<96xi32, #tpu.memory_space<vmem>>) target_semaphore(%run_scoped3A_78 : memref<!tpu.dma_semaphore, #tpu.memory_space<semaphore_mem>>)
      %dma_wait3A_87 = arith.constant 0 : i32
      %dma_wait3A_88 = tpu.memref_slice %arg7[%run_scoped3A_10, %dma_wait3A_87] : memref<3x96xi32, #tpu.memory_space<vmem>> -> memref<1x96xi32, #tpu.memory_space<vmem>>
      %dma_wait3A_89 = tpu.memref_squeeze %dma_wait3A_88 : memref<1x96xi32, #tpu.memory_space<vmem>> -> memref<96xi32, #tpu.memory_space<vmem>>
      %dma_wait3A_90 = tpu.memref_slice %arg3[%add3A_9] : memref<9216xi32, #tpu.memory_space<hbm>> -> memref<96xi32, #tpu.memory_space<hbm>>
      %dma_wait3A_91 = arith.constant 0 : i32
      %dma_wait3A_92 = tpu.memref_slice %arg7[%run_scoped3A_10, %dma_wait3A_91] : memref<3x96xi32, #tpu.memory_space<vmem>> -> memref<1x96xi32, #tpu.memory_space<vmem>>
      %dma_wait3A_93 = tpu.memref_squeeze %dma_wait3A_92 : memref<1x96xi32, #tpu.memory_space<vmem>> -> memref<96xi32, #tpu.memory_space<vmem>>
      %dma_wait3A_94 = tpu.memref_slice %arg3[%add3A_9] : memref<9216xi32, #tpu.memory_space<hbm>> -> memref<96xi32, #tpu.memory_space<hbm>>
      tpu.wait_dma2 semaphore(%run_scoped3A_78 : memref<!tpu.dma_semaphore, #tpu.memory_space<semaphore_mem>>) src(%dma_wait3A_94 : memref<96xi32, #tpu.memory_space<hbm>>) dst(%dma_wait3A_93 : memref<96xi32, #tpu.memory_space<vmem>>)
      tpu.yield
    }) : () -> ()
    %dma_start3A = arith.constant 0 : i32
    %dma_start3A_11 = arith.constant 0 : i32
    %dma_start3A_12 = arith.constant 0 : i32
    %dma_start3A_13 = tpu.memref_slice %arg8[%dma_start3A_11, %dma_start3A_12] : memref<288x128xf32, #tpu.memory_space<vmem>> -> memref<96x128xf32, #tpu.memory_space<vmem>>
    %dma_start3A_14 = arith.constant 0 : i32
    %dma_start3A_15 = tpu.memref_slice %arg7[%dma_start3A, %dma_start3A_14] : memref<3x96xi32, #tpu.memory_space<vmem>> -> memref<1x96xi32, #tpu.memory_space<vmem>>
    %dma_start3A_16 = tpu.memref_squeeze %dma_start3A_15 : memref<1x96xi32, #tpu.memory_space<vmem>> -> memref<96xi32, #tpu.memory_space<vmem>>
    %dma_start3A_17 = arith.constant 0 : i32
    %dma_start3A_18 = arith.constant 0 : i32
    %dma_start3A_19 = tpu.memref_slice %arg2[%dma_start3A_17, %dma_start3A_18] : memref<8192x128xf32, #tpu.memory_space<hbm>> -> memref<8192x128xf32, #tpu.memory_space<hbm>>
    tpu.enqueue_indirect_dma source(%dma_start3A_19 : memref<8192x128xf32, #tpu.memory_space<hbm>>) target(%dma_start3A_13 : memref<96x128xf32, #tpu.memory_space<vmem>>) offsets(%dma_start3A_16 : memref<96xi32, #tpu.memory_space<vmem>>) semaphore(%arg11 : memref<!tpu.dma_semaphore, #tpu.memory_space<semaphore_mem>>)
    %dma_start3A_20 = arith.constant 1 : i32
    %dma_start3A_21 = arith.constant 96 : i32
    %dma_start3A_22 = arith.constant 0 : i32
    %dma_start3A_23 = tpu.memref_slice %arg8[%dma_start3A_21, %dma_start3A_22] : memref<288x128xf32, #tpu.memory_space<vmem>> -> memref<96x128xf32, #tpu.memory_space<vmem>>
    %dma_start3A_24 = arith.constant 0 : i32
    %dma_start3A_25 = tpu.memref_slice %arg7[%dma_start3A_20, %dma_start3A_24] : memref<3x96xi32, #tpu.memory_space<vmem>> -> memref<1x96xi32, #tpu.memory_space<vmem>>
    %dma_start3A_26 = tpu.memref_squeeze %dma_start3A_25 : memref<1x96xi32, #tpu.memory_space<vmem>> -> memref<96xi32, #tpu.memory_space<vmem>>
    %dma_start3A_27 = arith.constant 0 : i32
    %dma_start3A_28 = arith.constant 0 : i32
    %dma_start3A_29 = tpu.memref_slice %arg2[%dma_start3A_27, %dma_start3A_28] : memref<8192x128xf32, #tpu.memory_space<hbm>> -> memref<8192x128xf32, #tpu.memory_space<hbm>>
    tpu.enqueue_indirect_dma source(%dma_start3A_29 : memref<8192x128xf32, #tpu.memory_space<hbm>>) target(%dma_start3A_23 : memref<96x128xf32, #tpu.memory_space<vmem>>) offsets(%dma_start3A_26 : memref<96xi32, #tpu.memory_space<vmem>>) semaphore(%arg11 : memref<!tpu.dma_semaphore, #tpu.memory_space<semaphore_mem>>)
    %dma_start3A_30 = arith.constant 2 : i32
    %dma_start3A_31 = arith.constant 192 : i32
    %dma_start3A_32 = arith.constant 0 : i32
    %dma_start3A_33 = tpu.memref_slice %arg8[%dma_start3A_31, %dma_start3A_32] : memref<288x128xf32, #tpu.memory_space<vmem>> -> memref<96x128xf32, #tpu.memory_space<vmem>>
    %dma_start3A_34 = arith.constant 0 : i32
    %dma_start3A_35 = tpu.memref_slice %arg7[%dma_start3A_30, %dma_start3A_34] : memref<3x96xi32, #tpu.memory_space<vmem>> -> memref<1x96xi32, #tpu.memory_space<vmem>>
    %dma_start3A_36 = tpu.memref_squeeze %dma_start3A_35 : memref<1x96xi32, #tpu.memory_space<vmem>> -> memref<96xi32, #tpu.memory_space<vmem>>
    %dma_start3A_37 = arith.constant 0 : i32
    %dma_start3A_38 = arith.constant 0 : i32
    %dma_start3A_39 = tpu.memref_slice %arg2[%dma_start3A_37, %dma_start3A_38] : memref<8192x128xf32, #tpu.memory_space<hbm>> -> memref<8192x128xf32, #tpu.memory_space<hbm>>
    tpu.enqueue_indirect_dma source(%dma_start3A_39 : memref<8192x128xf32, #tpu.memory_space<hbm>>) target(%dma_start3A_33 : memref<96x128xf32, #tpu.memory_space<vmem>>) offsets(%dma_start3A_36 : memref<96xi32, #tpu.memory_space<vmem>>) semaphore(%arg11 : memref<!tpu.dma_semaphore, #tpu.memory_space<semaphore_mem>>)
    "tpu.region"() ({
      %run_scoped3A_78 = tpu.sem_alloc : memref<!tpu.dma_semaphore, #tpu.memory_space<semaphore_mem>>
      %dma_start3A_79 = arith.constant 0 : i32
      %dma_start3A_80 = tpu.memref_slice %arg4[%mul3A_2, %dma_start3A_79] : memref<9216x64xf32, #tpu.memory_space<hbm>> -> memref<288x64xf32, #tpu.memory_space<hbm>>
      %dma_start3A_81 = arith.constant 0 : i32
      %dma_start3A_82 = tpu.memref_slice %arg4[%mul3A_2, %dma_start3A_81] : memref<9216x64xf32, #tpu.memory_space<hbm>> -> memref<288x64xf32, #tpu.memory_space<hbm>>
      tpu.enqueue_dma source(%dma_start3A_82 : memref<288x64xf32, #tpu.memory_space<hbm>>) target(%arg9 : memref<288x64xf32, #tpu.memory_space<vmem>>) target_semaphore(%run_scoped3A_78 : memref<!tpu.dma_semaphore, #tpu.memory_space<semaphore_mem>>)
      %dma_wait3A_83 = arith.constant 0 : i32
      %dma_wait3A_84 = tpu.memref_slice %arg4[%mul3A_2, %dma_wait3A_83] : memref<9216x64xf32, #tpu.memory_space<hbm>> -> memref<288x64xf32, #tpu.memory_space<hbm>>
      %dma_wait3A_85 = arith.constant 0 : i32
      %dma_wait3A_86 = tpu.memref_slice %arg4[%mul3A_2, %dma_wait3A_85] : memref<9216x64xf32, #tpu.memory_space<hbm>> -> memref<288x64xf32, #tpu.memory_space<hbm>>
      tpu.wait_dma2 semaphore(%run_scoped3A_78 : memref<!tpu.dma_semaphore, #tpu.memory_space<semaphore_mem>>) src(%dma_wait3A_86 : memref<288x64xf32, #tpu.memory_space<hbm>>) dst(%arg9 : memref<288x64xf32, #tpu.memory_space<vmem>>)
      tpu.yield
    }) : () -> ()
    %dma_wait3A = arith.constant 0 : i32
    %dma_wait3A_40 = arith.constant 0 : i32
    %dma_wait3A_41 = arith.constant 0 : i32
    %dma_wait3A_42 = tpu.memref_slice %arg8[%dma_wait3A_40, %dma_wait3A_41] : memref<288x128xf32, #tpu.memory_space<vmem>> -> memref<96x128xf32, #tpu.memory_space<vmem>>
    %dma_wait3A_43 = arith.constant 0 : i32
    %dma_wait3A_44 = tpu.memref_slice %arg7[%dma_wait3A, %dma_wait3A_43] : memref<3x96xi32, #tpu.memory_space<vmem>> -> memref<1x96xi32, #tpu.memory_space<vmem>>
    %dma_wait3A_45 = tpu.memref_squeeze %dma_wait3A_44 : memref<1x96xi32, #tpu.memory_space<vmem>> -> memref<96xi32, #tpu.memory_space<vmem>>
    %dma_wait3A_46 = arith.constant 0 : i32
    %dma_wait3A_47 = arith.constant 0 : i32
    %dma_wait3A_48 = tpu.memref_slice %arg2[%dma_wait3A_46, %dma_wait3A_47] : memref<8192x128xf32, #tpu.memory_space<hbm>> -> memref<8192x128xf32, #tpu.memory_space<hbm>>
    tpu.wait_indirect_dma semaphore(%arg11 : memref<!tpu.dma_semaphore, #tpu.memory_space<semaphore_mem>>) src(%dma_wait3A_48 : memref<8192x128xf32, #tpu.memory_space<hbm>>) dst(%dma_wait3A_42 : memref<96x128xf32, #tpu.memory_space<vmem>>)
    %dma_wait3A_49 = arith.constant 1 : i32
    %dma_wait3A_50 = arith.constant 96 : i32
    %dma_wait3A_51 = arith.constant 0 : i32
    %dma_wait3A_52 = tpu.memref_slice %arg8[%dma_wait3A_50, %dma_wait3A_51] : memref<288x128xf32, #tpu.memory_space<vmem>> -> memref<96x128xf32, #tpu.memory_space<vmem>>
    %dma_wait3A_53 = arith.constant 0 : i32
    %dma_wait3A_54 = tpu.memref_slice %arg7[%dma_wait3A_49, %dma_wait3A_53] : memref<3x96xi32, #tpu.memory_space<vmem>> -> memref<1x96xi32, #tpu.memory_space<vmem>>
    %dma_wait3A_55 = tpu.memref_squeeze %dma_wait3A_54 : memref<1x96xi32, #tpu.memory_space<vmem>> -> memref<96xi32, #tpu.memory_space<vmem>>
    %dma_wait3A_56 = arith.constant 0 : i32
    %dma_wait3A_57 = arith.constant 0 : i32
    %dma_wait3A_58 = tpu.memref_slice %arg2[%dma_wait3A_56, %dma_wait3A_57] : memref<8192x128xf32, #tpu.memory_space<hbm>> -> memref<8192x128xf32, #tpu.memory_space<hbm>>
    tpu.wait_indirect_dma semaphore(%arg11 : memref<!tpu.dma_semaphore, #tpu.memory_space<semaphore_mem>>) src(%dma_wait3A_58 : memref<8192x128xf32, #tpu.memory_space<hbm>>) dst(%dma_wait3A_52 : memref<96x128xf32, #tpu.memory_space<vmem>>)
    %dma_wait3A_59 = arith.constant 2 : i32
    %dma_wait3A_60 = arith.constant 192 : i32
    %dma_wait3A_61 = arith.constant 0 : i32
    %dma_wait3A_62 = tpu.memref_slice %arg8[%dma_wait3A_60, %dma_wait3A_61] : memref<288x128xf32, #tpu.memory_space<vmem>> -> memref<96x128xf32, #tpu.memory_space<vmem>>
    %dma_wait3A_63 = arith.constant 0 : i32
    %dma_wait3A_64 = tpu.memref_slice %arg7[%dma_wait3A_59, %dma_wait3A_63] : memref<3x96xi32, #tpu.memory_space<vmem>> -> memref<1x96xi32, #tpu.memory_space<vmem>>
    %dma_wait3A_65 = tpu.memref_squeeze %dma_wait3A_64 : memref<1x96xi32, #tpu.memory_space<vmem>> -> memref<96xi32, #tpu.memory_space<vmem>>
    %dma_wait3A_66 = arith.constant 0 : i32
    %dma_wait3A_67 = arith.constant 0 : i32
    %dma_wait3A_68 = tpu.memref_slice %arg2[%dma_wait3A_66, %dma_wait3A_67] : memref<8192x128xf32, #tpu.memory_space<hbm>> -> memref<8192x128xf32, #tpu.memory_space<hbm>>
    tpu.wait_indirect_dma semaphore(%arg11 : memref<!tpu.dma_semaphore, #tpu.memory_space<semaphore_mem>>) src(%dma_wait3A_68 : memref<8192x128xf32, #tpu.memory_space<hbm>>) dst(%dma_wait3A_62 : memref<96x128xf32, #tpu.memory_space<vmem>>)
    "tpu.region"() ({
      %run_scoped3A_78 = tpu.sem_alloc : memref<!tpu.dma_semaphore, #tpu.memory_space<semaphore_mem>>
      %dma_start3A_79 = arith.constant 0 : i32
      %dma_start3A_80 = tpu.memref_slice %arg5[%mul3A_2, %dma_start3A_79] : memref<9216x128xf32, #tpu.memory_space<hbm>> -> memref<288x128xf32, #tpu.memory_space<hbm>>
      %dma_start3A_81 = arith.constant 0 : i32
      %dma_start3A_82 = tpu.memref_slice %arg5[%mul3A_2, %dma_start3A_81] : memref<9216x128xf32, #tpu.memory_space<hbm>> -> memref<288x128xf32, #tpu.memory_space<hbm>>
      tpu.enqueue_dma source(%arg8 : memref<288x128xf32, #tpu.memory_space<vmem>>) target(%dma_start3A_82 : memref<288x128xf32, #tpu.memory_space<hbm>>) target_semaphore(%run_scoped3A_78 : memref<!tpu.dma_semaphore, #tpu.memory_space<semaphore_mem>>)
      %dma_wait3A_83 = arith.constant 0 : i32
      %dma_wait3A_84 = tpu.memref_slice %arg5[%mul3A_2, %dma_wait3A_83] : memref<9216x128xf32, #tpu.memory_space<hbm>> -> memref<288x128xf32, #tpu.memory_space<hbm>>
      %dma_wait3A_85 = arith.constant 0 : i32
      %dma_wait3A_86 = tpu.memref_slice %arg5[%mul3A_2, %dma_wait3A_85] : memref<9216x128xf32, #tpu.memory_space<hbm>> -> memref<288x128xf32, #tpu.memory_space<hbm>>
      tpu.wait_dma2 semaphore(%run_scoped3A_78 : memref<!tpu.dma_semaphore, #tpu.memory_space<semaphore_mem>>) src(%arg8 : memref<288x128xf32, #tpu.memory_space<vmem>>) dst(%dma_wait3A_86 : memref<288x128xf32, #tpu.memory_space<hbm>>)
      tpu.yield
    }) : () -> ()
    %broadcast_in_dim3A = arith.constant 0.000000e+00 : f32
    %broadcast_in_dim3A_69 = vector.broadcast %broadcast_in_dim3A : f32 to vector<16xf32>
    %scan3A = arith.constant 0 : i32
    %scan3A_70 = arith.constant 288 : i32
    %scan3A_71 = arith.addi %scan3A, %scan3A_70 : i32
    %scan3A_72 = arith.constant 1 : i32
    %scan3A_73 = scf.for %scan3A_78 = %scan3A to %scan3A_71 step %scan3A_72 iter_args(%scan3A_79 = %broadcast_in_dim3A_69) -> (vector<16xf32>)  : i32 {
      %get3A = arith.index_cast %scan3A_78 : i32 to index
      %get3A_80 = arith.constant 0 : index
      %get3A_81 = tpu.vector_load %arg8[%get3A, %get3A_80] {strides = array<i32>} : memref<288x128xf32, #tpu.memory_space<vmem>>, vector<1x16xf32>,
      %get3A_82 = vector.shape_cast %get3A_81 : vector<1x16xf32> to vector<16xf32>
      %get3A_83 = arith.index_cast %scan3A_78 : i32 to index
      %get3A_84 = arith.constant 0 : index
      %get3A_85 = tpu.vector_load %arg9[%get3A_83, %get3A_84] {strides = array<i32>} : memref<288x64xf32, #tpu.memory_space<vmem>>, vector<1x16xf32>,
      %get3A_86 = vector.shape_cast %get3A_85 : vector<1x16xf32> to vector<16xf32>
      %sub3A = arith.subf %get3A_82, %get3A_86 : vector<16xf32>
      %abs3A = math.absf %sub3A : vector<16xf32>
      %add3A_87 = arith.addf %scan3A_79, %abs3A : vector<16xf32>
      %get3A_88 = arith.index_cast %scan3A_78 : i32 to index
      %get3A_89 = arith.constant 16 : index
      %get3A_90 = tpu.vector_load %arg8[%get3A_88, %get3A_89] {strides = array<i32>} : memref<288x128xf32, #tpu.memory_space<vmem>>, vector<1x16xf32>,
      %get3A_91 = vector.shape_cast %get3A_90 : vector<1x16xf32> to vector<16xf32>
      %get3A_92 = arith.index_cast %scan3A_78 : i32 to index
      %get3A_93 = arith.constant 16 : index
      %get3A_94 = tpu.vector_load %arg9[%get3A_92, %get3A_93] {strides = array<i32>} : memref<288x64xf32, #tpu.memory_space<vmem>>, vector<1x16xf32>,
      %get3A_95 = vector.shape_cast %get3A_94 : vector<1x16xf32> to vector<16xf32>
      %sub3A_96 = arith.subf %get3A_91, %get3A_95 : vector<16xf32>
      %abs3A_97 = math.absf %sub3A_96 : vector<16xf32>
      %add3A_98 = arith.addf %add3A_87, %abs3A_97 : vector<16xf32>
      %get3A_99 = arith.index_cast %scan3A_78 : i32 to index
      %get3A_100 = arith.constant 32 : index
      %get3A_101 = tpu.vector_load %arg8[%get3A_99, %get3A_100] {strides = array<i32>} : memref<288x128xf32, #tpu.memory_space<vmem>>, vector<1x16xf32>,
      %get3A_102 = vector.shape_cast %get3A_101 : vector<1x16xf32> to vector<16xf32>
      %get3A_103 = arith.index_cast %scan3A_78 : i32 to index
      %get3A_104 = arith.constant 32 : index
      %get3A_105 = tpu.vector_load %arg9[%get3A_103, %get3A_104] {strides = array<i32>} : memref<288x64xf32, #tpu.memory_space<vmem>>, vector<1x16xf32>,
      %get3A_106 = vector.shape_cast %get3A_105 : vector<1x16xf32> to vector<16xf32>
      %sub3A_107 = arith.subf %get3A_102, %get3A_106 : vector<16xf32>
      %abs3A_108 = math.absf %sub3A_107 : vector<16xf32>
      %add3A_109 = arith.addf %add3A_98, %abs3A_108 : vector<16xf32>
      %get3A_110 = arith.index_cast %scan3A_78 : i32 to index
      %get3A_111 = arith.constant 48 : index
      %get3A_112 = tpu.vector_load %arg8[%get3A_110, %get3A_111] {strides = array<i32>} : memref<288x128xf32, #tpu.memory_space<vmem>>, vector<1x16xf32>,
      %get3A_113 = vector.shape_cast %get3A_112 : vector<1x16xf32> to vector<16xf32>
      %get3A_114 = arith.index_cast %scan3A_78 : i32 to index
      %get3A_115 = arith.constant 48 : index
      %get3A_116 = tpu.vector_load %arg9[%get3A_114, %get3A_115] {strides = array<i32>} : memref<288x64xf32, #tpu.memory_space<vmem>>, vector<1x16xf32>,
      %get3A_117 = vector.shape_cast %get3A_116 : vector<1x16xf32> to vector<16xf32>
      %sub3A_118 = arith.subf %get3A_113, %get3A_117 : vector<16xf32>
      %abs3A_119 = math.absf %sub3A_118 : vector<16xf32>
      %add3A_120 = arith.addf %add3A_109, %abs3A_119 : vector<16xf32>
      scf.yield %add3A_120 : vector<16xf32>
    }
    %scan3A_74 = arith.constant 288 : i32
    %swap3A = arith.constant 0 : index
    %swap3A_75 = tpu.vector_load %arg10[%swap3A] {strides = array<i32>} : memref<16xf32, #tpu.memory_space<vmem>>, vector<16xf32>,
    %swap3A_76 = vector.shape_cast %swap3A_75 : vector<16xf32> to vector<16xf32>
    %swap3A_77 = vector.shape_cast %scan3A_73 : vector<16xf32> to vector<16xf32>
    tpu.vector_store %arg10[%swap3A], %swap3A_77 {strides = array<i32>} : memref<16xf32, #tpu.memory_space<vmem>>, vector<16xf32>,
    "tpu.region"() ({
      %run_scoped3A_78 = tpu.sem_alloc : memref<!tpu.dma_semaphore, #tpu.memory_space<semaphore_mem>>
      %dma_start3A_79 = arith.constant 0 : i32
      %dma_start3A_80 = tpu.memref_slice %arg6[%add3A, %dma_start3A_79] : memref<32x16xf32, #tpu.memory_space<hbm>> -> memref<1x16xf32, #tpu.memory_space<hbm>>
      %dma_start3A_81 = tpu.memref_squeeze %dma_start3A_80 : memref<1x16xf32, #tpu.memory_space<hbm>> -> memref<16xf32, #tpu.memory_space<hbm>>
      %dma_start3A_82 = arith.constant 0 : i32
      %dma_start3A_83 = tpu.memref_slice %arg6[%add3A, %dma_start3A_82] : memref<32x16xf32, #tpu.memory_space<hbm>> -> memref<1x16xf32, #tpu.memory_space<hbm>>
      %dma_start3A_84 = tpu.memref_squeeze %dma_start3A_83 : memref<1x16xf32, #tpu.memory_space<hbm>> -> memref<16xf32, #tpu.memory_space<hbm>>
      tpu.enqueue_dma source(%arg10 : memref<16xf32, #tpu.memory_space<vmem>>) target(%dma_start3A_84 : memref<16xf32, #tpu.memory_space<hbm>>) target_semaphore(%run_scoped3A_78 : memref<!tpu.dma_semaphore, #tpu.memory_space<semaphore_mem>>)
      %dma_wait3A_85 = arith.constant 0 : i32
      %dma_wait3A_86 = tpu.memref_slice %arg6[%add3A, %dma_wait3A_85] : memref<32x16xf32, #tpu.memory_space<hbm>> -> memref<1x16xf32, #tpu.memory_space<hbm>>
      %dma_wait3A_87 = tpu.memref_squeeze %dma_wait3A_86 : memref<1x16xf32, #tpu.memory_space<hbm>> -> memref<16xf32, #tpu.memory_space<hbm>>
      %dma_wait3A_88 = arith.constant 0 : i32
      %dma_wait3A_89 = tpu.memref_slice %arg6[%add3A, %dma_wait3A_88] : memref<32x16xf32, #tpu.memory_space<hbm>> -> memref<1x16xf32, #tpu.memory_space<hbm>>
      %dma_wait3A_90 = tpu.memref_squeeze %dma_wait3A_89 : memref<1x16xf32, #tpu.memory_space<hbm>> -> memref<16xf32, #tpu.memory_space<hbm>>
      tpu.wait_dma2 semaphore(%run_scoped3A_78 : memref<!tpu.dma_semaphore, #tpu.memory_space<semaphore_mem>>) src(%arg10 : memref<16xf32, #tpu.memory_space<vmem>>) dst(%dma_wait3A_90 : memref<16xf32, #tpu.memory_space<hbm>>)
      tpu.yield
    }) : () -> ()
    return
  }
}

</mosaic_0001>

<sc_bundles>
// kernel: _gather_call.3.cloned.1.call-start
scs
__scs_entry_jumppad:
0x0: {  	(pc) =	sbr.rel $0x88, $3  }
0x1: {  	(tag) =	ssettag $0x0;
	lr =	simm.s32 $0x1  }
0x2: {  	[smem:$0x3F9E] =	sst lr;
	_ =	strace $0xD0000000  }
0x3: {  	_ = 	snop  }
0x4: {  	_ = 	snop  }
0x5: {  	_ = 	snop  }
0x6: {  	_ = 	snop  }
0x7: {  	_ = 	snop  }
__scs_overlays_trampoline_lowered:
0x8: {  	[smem:$0x3FAD] =	sst s0  }
0x9: {  	[smem:$0x3FAE] =	sst s1  }
0xa: {  	[smem:$0x3FAF] =	sst s2  }
0xb: {  	[smem:$0x3FB0] =	sst s3  }
0xc: {  	[smem:$0x3FB1] =	sst s4  }
0xd: {  	[smem:$0x3FB2] =	sst s5  }
0xe: {  	[smem:$0x3FB3] =	sst s6  }
0xf: {  	[smem:$0x3FB4] =	sst s7  }
0x10: {  	[smem:$0x3FB5] =	sst s8  }
0x11: {  	[smem:$0x3FB6] =	sst s9;
	s0 =	simm.s32 @!p0 $0x0  }
0x12: {  	s1 =	sld [smem:$0x3F9C];
	s0 =	simm.s32 @p0 $0x1  }
0x13: {  	[smem:$0x3FB7] =	sst s0;
	s0 =	simm.s32 @!p1 $0x0  }
0x14: {  	s2 =	sld [smem:$0x3F9B];
	s0 =	simm.s32 @p1 $0x1  }
0x15: {  	[smem:$0x3FB8] =	sst s0;
	s0 =	simm.s32 @!p2 $0x0  }
0x16: {  	s3 =	sld [smem:$0x3FDB];
	s0 =	simm.s32 @p2 $0x1  }
0x17: {  	s4 =	simm.s32 $0x1BF5;
	[smem:$0x3FBA] =	sst s0  }
0x18: {  	s0 =	sld [smem:$0x3F9D];
	_ =	swait.ge [sflag:s4], $0x0  }
0x19: {  	s7 =	sld [smem:$0x3F9E]  }
0x1a: {  	s8 =	sadd.s32 $0xFFFFE003, lr  }
0x1b: {  	s9 =	sadd.s32 $0xFFFFFEF7, lr;
	s5 =	simm.s32 $0xFFFFFFFF;
	p2 =	slt.u32 s8, $0xFFFFF086  }
0x1c: {  	p1 =	slt.u32 s9, $0xF7A;
	s5 =	simm.s32 @!p2 $0x0  }
0x1d: {  	s5 =	simm.s32 @p1 $0x1;
	p0 =	seq.s32 s7, s2  }
0x1e: {  	s7 =	smul.u32 @!p0 $0xF7A, s2;
	p2 =	seq.s32 @!p0 s5, $0x0  }
0x1f: {  	s9 =	smul.u32 $0xF7A, s1;
	s8 =	simm.s32 @!p0 $0x1BF5;
	p2 =	por !p2, p0  }
0x20: {  	[sflag:s8] =	ssyncset.s32 @!p0 $0xFFFFF086;
	s6 =	sadd.s32 @!p0 s3, s7;
	s7 =	simm.s32 @!p0 $0x108  }
0x21: {  	s3 =	sadd.s32 s3, s9;
	s6 =	sadd.s32 @!p0 $0x88, s6;
	s7 =	simm.s32 @p2 $0x1082  }
0x22: {  	[simem:s7], [sflag:s8] =	dma.local @!p0 [hbm:s6], $0xF7A  }
0x23: {  	s9 =	sor.u32 $0xD0000000, s2;
	s6 =	simm.s32 $0x108;
	_ =	swait.ge @!p0 [sflag:s8], $0x0  }
0x24: {  	s3 =	sadd.s32 $0x88, s3;
	s6 =	simm.s32 @!p1 $0x1082;
	[sflag:s4] =	ssyncset.s32 $0xFFFFF086  }
0x25: {  	[simem:s6], [sflag:s4] =	dma.local [hbm:s3], $0xF7A  }
0x26: {  	[smem:$0x3F9E] =	sst s1;
	(tag) =	ssettag s2;
	_ =	strace s9  }
0x27: {  	s1 =	sld [smem:$0x3FAE]  }
0x28: {  	s2 =	sld [smem:$0x3FAF]  }
0x29: {  	s4 =	sld [smem:$0x3FB1]  }
0x2a: {  	p0 =	seq.s32 s5, $0x0;
	s5 =	sld [smem:$0x3FB2]  }
0x2b: {  	s6 =	sld [smem:$0x3FB3]  }
0x2c: {  	s7 =	sld [smem:$0x3FB4]  }
0x2d: {  	s3 =	simm.s32 $0x108;
	s8 =	sld [smem:$0x3FB5]  }
0x2e: {  	s3 =	simm.s32 @!p0 $0x1082;
	s9 =	sld [smem:$0x3FB6]  }
0x2f: {  	lr =	sadd.s32 s0, s3;
	s0 =	sld [smem:$0x3FAD]  }
0x30: {  	s3 =	sld [smem:$0x3FB0]  }
0x31: {  	[smem:$0x3FB9] =	sst s10  }
0x32: {  	s10 =	sld [smem:$0x3FB7];
	_ =	sdelay $0x3  }
0x33: {  	p0 =	seq.s32 s10, $0x1;
	s10 =	sld [smem:$0x3FB9];
	_ =	sdelay $0x3  }
0x34: {  	[smem:$0x3FB9] =	sst s10  }
0x35: {  	s10 =	sld [smem:$0x3FB8];
	_ =	sdelay $0x3  }
0x36: {  	p1 =	seq.s32 s10, $0x1;
	s10 =	sld [smem:$0x3FB9];
	_ =	sdelay $0x3  }
0x37: {  	[smem:$0x3FB9] =	sst s10  }
0x38: {  	s10 =	sld [smem:$0x3FBA]  }
0x39: {  	_ = 	snop;
	(pc) =	sbr.ind lr, $3  }
0x3a: {  	_ = 	snop  }
0x3b: {  	_ = 	snop  }
0x3c: {  	p2 =	seq.s32 s10, $0x1;
	s10 =	sld [smem:$0x3FB9]  }
0x3d: {  	_ =	shalt  }
0x3e: {  	_ =	shalt  }
0x3f: {  	_ =	shalt  }
0x40: {  	_ =	shalt  }
0x41: {  	_ =	shalt  }
0x42: {  	_ =	shalt  }
0x43: {  	_ =	shalt  }
0x44: {  	_ =	shalt  }
0x45: {  	_ =	shalt  }
0x46: {  	_ =	shalt  }
0x47: {  	_ =	shalt  }
0x48: {  	_ =	shalt  }
0x49: {  	_ =	shalt  }
0x4a: {  	_ =	shalt  }
0x4b: {  	_ =	shalt  }
0x4c: {  	_ =	shalt  }
0x4d: {  	_ =	shalt  }
0x4e: {  	_ =	shalt  }
0x4f: {  	_ =	shalt  }
0x50: {  	_ =	shalt  }
0x51: {  	_ =	shalt  }
0x52: {  	_ =	shalt  }
0x53: {  	_ =	shalt  }
0x54: {  	_ =	shalt  }
0x55: {  	_ =	shalt  }
0x56: {  	_ =	shalt  }
0x57: {  	_ =	shalt  }
0x58: {  	_ =	shalt  }
0x59: {  	_ =	shalt  }
0x5a: {  	_ =	shalt  }
0x5b: {  	_ =	shalt  }
0x5c: {  	_ =	shalt  }
0x5d: {  	_ =	shalt  }
0x5e: {  	_ =	shalt  }
0x5f: {  	_ =	shalt  }
0x60: {  	_ =	shalt  }
0x61: {  	_ =	shalt  }
0x62: {  	_ =	shalt  }
0x63: {  	_ =	shalt  }
0x64: {  	_ =	shalt  }
0x65: {  	_ =	shalt  }
0x66: {  	_ =	shalt  }
0x67: {  	_ =	shalt  }
0x68: {  	_ =	shalt  }
0x69: {  	_ =	shalt  }
0x6a: {  	_ =	shalt  }
0x6b: {  	_ =	shalt  }
0x6c: {  	_ =	shalt  }
0x6d: {  	_ =	shalt  }
0x6e: {  	_ =	shalt  }
0x6f: {  	_ =	shalt  }
0x70: {  	_ =	shalt  }
0x71: {  	_ =	shalt  }
0x72: {  	_ =	shalt  }
0x73: {  	_ =	shalt  }
0x74: {  	_ =	shalt  }
0x75: {  	_ =	shalt  }
0x76: {  	_ =	shalt  }
0x77: {  	_ =	shalt  }
0x78: {  	_ =	shalt  }
0x79: {  	_ =	shalt  }
0x7a: {  	_ =	shalt  }
0x7b: {  	_ =	shalt  }
0x7c: {  	_ =	shalt  }
0x7d: {  	_ =	shalt  }
0x7e: {  	_ =	shalt  }
0x7f: {  	_ =	shalt  }
0x80: {  	_ =	shalt  }
0x81: {  	_ =	shalt  }
0x82: {  	_ =	shalt  }
0x83: {  	_ =	shalt  }
0x84: {  	_ =	shalt  }
0x85: {  	_ =	shalt  }
0x86: {  	_ =	shalt  }
0x87: {  	_ =	shalt  }
.Lfunc_end0:
.L_simem_size_0:
called_computation_lowered:
.L_overlay_start_0:
0x88: {  	s2 =	sld [smem:$0x3FD9]  }
0x89: {  	s3 =	sld [smem:$0x3FFE];
	_ =	sdelay $0x1  }
0x8a: {  	s1 =	srdreg.scid  }
0x8b: {  	s0 =	sand.u32 $0x1, s1  }
0x8c: {  	s14 =	sshll.u32 s0, $0xA;
	s2 =	sadd.s32 s3, s2  }
0x8d: {  	s2 =	sadd.s32 s2, s14  }
0x8e: {  	[smem:$0x3FC5] =	sst s2  }
0x8f: {  	_ = 	snop  }
0x90: {  	s2 =	sld [smem:$0x3FD0];
	_ =	sdelay $0x1  }
0x91: {  	s15 =	sld [smem:$0x3FC9]  }
0x92: {  	s5 =	simm.s32 $0xA;
	s6 =	simm.s32 $0x10;
	s4 =	sld [smem:$0x3FC8]  }
0x93: {  	[smem:s6], [sflag:s5] =	dma.local [hbm:s2], $0x1  }
0x94: {  	_ =	swait.eq [sflag:s5], $0x1  }
0x95: {  	[sflag:s5] =	ssyncset.done $0x0  }
0x96: {  	[sflag:s5] =	ssyncadd.s32 $0xFFFFFFFF  }
0x97: {  	s16 =	sld [smem:$0x10];
	(tm) =	ssettm $0x1  }
0x98: {  	s17 =	sld [smem:$0x3FFB];
	_ =	sdelay $0x3  }
0x99: {  	_ =	strace s17  }
0x9a: {  	s5 =	sld [smem:$0x3FFC];
	_ =	sdelay $0x3  }
0x9b: {  	_ =	strace s5  }
0x9c: {  	s5 =	sld [smem:$0x3FFD];
	_ =	sdelay $0x3  }
0x9d: {  	_ =	strace s5  }
0x9e: {  	_ =	strace $0x8FFFFFFF  }
0x9f: {  	s18 =	sld [smem:$0x3FDB];
	_ =	sdelay $0x1  }
0xa0: {  	s19 =	simm.s32 $_scs_section_size  }
0xa1: {  	s7 =	simm.s32 $_size__tile_overlayer_lowered;
	s8 =	simm.s32 $_tile_overlayer_lowered  }
0xa2: {  	s22 =	simm.s32 $0x1BFF;
	s21 =	sshll.u32 s8, $0x1;
	s5 =	sadd.s32 s19, s18  }
0xa3: {  	s9 =	simm.s32 $0x0;
	s20 =	sshll.u32 s7, $0x1;
	s7 =	sadd.s32 s21, s5  }
0xa4: {  	[timem:s9], [sflag:s22] =	dma.local [hbm:s7], s20  }
0xa5: {  	_ =	swait.ge [sflag:s22], s20  }
0xa6: {  	s6 =	ssub.s32 $0x0, s20;
	[sflag:s22] =	ssyncset.done $0x0  }
0xa7: {  	[sflag:s22] =	ssyncadd.s32 s6;
	_ =	sdelay $0x1  }
0xa8: {  	s23 =	simm.s32 $0x1B8B  }
0xa9: {  	_ =	swait.ge [sflag:s23], $0x1  }
0xaa: {  	[sflag:s23] =	ssyncset.done $0x0  }
0xab: {  	s25 =	simm.s32 $0x1B8E;
	s24 =	sld [smem:$0x3FFE];
	[sflag:s23] =	ssyncadd.s32 $0xFFFFFFFF  }
0xac: {  	s26 =	simm.s32 $execute0_lowered;
	[smem:$0x3FD2] =	sst s25  }
0xad: {  	s7 =	sshll.u32 s26, $0x1;
	_ =	strace $0x80000046;
	[dreg:$0x1] =	wrdreg $0xFFFFFFFF  }
0xae: {  	s28 =	simm.s32 $_size_execute0_lowered;
	s5 =	sadd.s32 s5, s7;
	[dreg:$0x0] =	wrdreg $0x0  }
0xaf: {  	s7 =	sshll.u32 s28, $0x1;
	[dreg:$0x2] =	wrdreg s5  }
0xb0: {  	[dreg:$0x3] =	wrdreg s7  }
0xb1: {  	[dreg:$0x4] =	wrdreg $0xC0  }
0xb2: {  	_ =	task [dreg:s9], $0x5FFFF  }
0xb3: {  	[dreg:$0x1] =	wrdreg $0xFFFFFFFF  }
0xb4: {  	[dreg:$0x0] =	wrdreg $0x60  }
0xb5: {  	[dreg:$0x2] =	wrdreg s15  }
0xb6: {  	[dreg:$0x3] =	wrdreg s4  }
0xb7: {  	[dreg:$0x4] =	wrdreg s24  }
0xb8: {  	[dreg:$0x5] =	wrdreg s16  }
0xb9: {  	[dreg:$0x6] =	wrdreg $0x9  }
0xba: {  	_ =	task.clear_ibuf [dreg:s9], $0x7FFFF;
	_ =	strace $0x90000046  }
0xbb: {  	s29 =	simm.s32 $0x9;
	_ =	strace $0x80000048  }
0xbc: {  	_ =	swait.ge [sflag:s29], $0x1  }
0xbd: {  	[sflag:s29] =	ssyncadd.s32 $0xFFFFFFFF  }
0xbe: {  	_ =	strace $0x90000048  }
0xbf: {  	_ =	sfence  }
0xc0: {  	s30 =	sld [smem:$0x0];
	_ =	sdelay $0x2  }
0xc1: {  	s31 =	sshll.u32 s1, $0xD;
	s1 =	sshrl.u32 s1, $0x2  }
0xc2: {  	s3 =	sand.u32 $0x4000, s31;
	s1 =	sadd.s32 s1, s30  }
0xc3: {  	s0 =	sor.u32 s3, s0;
	s1 =	sshll.u32 s1, $0x11  }
0xc4: {  	s0 =	sor.u32 s1, s0  }
0xc5: {  	s0 =	sadd.s32 $0x8F2B, s0  }
0xc6: {  	[sflag:s0] =	ssyncadd.remote.s32 $0x1  }
0xc7: {  	_ =	sfence.sel $0xFFFF  }
0xc8: {  	[dreg:$0x0] =	wrdreg $0xFFFFFFFF;
	(pc) =	sbr.abs _section_cstart, $3  }
0xc9: {  	[dreg:$0x1] =	wrdreg $0xFFFFFFFF  }
0xca: {  	_ =	task.clear_ibuf [dreg:s9], $0x2FFFF;
	_ =	strace $0x9FFFFFFF  }
0xcb: {  	(tm) =	ssettm $0x7FFFFFFF  }
tec
execute0_lowered:
.L_overlay_start_1:
0x0: {  	(tag) =	ssettag $0x1  }
0x1: {  	s1 =	rddreg [dreg:$0x0]  }
0x2: {  	s4 =	rddreg [dreg:$0x1]  }
0x3: {  	s2 =	srdreg.scid;
	s5 =	rddreg [dreg:$0x2]  }
0x4: {  	s0 =	stileid.u32;
	s8 =	rddreg [dreg:$0x3];
	s3 =	simm.s32 $0x0  }
0x5: {  	s13 =	simm.s32 $0x100;
	s14 =	simm.s32 $0x60;
	s15 =	simm.s32 $0x200  }
0x6: {  	s16 =	simm.s32 $0x3200;
	s17 =	simm.s32 $0x6200;
	s18 =	simm.s32 $0x9200  }
0x7: {  	s19 =	simm.s32 $0x1;
	s6 =	sand.u32 $0x1, s2;
	s29 =	sshll.u32 s0, $0x1  }
0x8: {  	s20 =	simm.s32 $0x12200;
	s2 =	rddreg [dreg:$0x4];
	s7 =	sor.u32 s6, s29  }
0x9: {  	s21 =	simm.s32 $0x0;
	[smem:$0x7FF] =	sst s3;
	s9 =	smul.u32 $0x1200, s7  }
0xa: {  	s6 =	ssub.s32 $0x2, s6;
	s10 =	smul.u32 $0x120, s7;
	s7 =	sshll.u32 s7, $0x4  }
0xb: {  	_ =	strace $0x80000047;
	s30 =	sshrl.u32 s6, $0x1;
	s12 =	sadd.s32 s7, s5  }
0xc: {  	s31 =	ssub.s32 s6, s30;
	s11 =	sadd.s32 s9, s5;
	s10 =	sshrl.u32 s10, $0x3  }
0xd: {  	s8 =	sadd.s32 s8, s9;
	s9 =	sadd.s32 $0x24800, s12;
	s12 =	simm.s32 $0x80  }
0xe: {  	s4 =	sadd.s32 s4, s10;
	s7 =	sadd.s32 $0x800, s11;
	s10 =	smax.u32 s31, $0x1  }
0xf: {  	s11 =	simm.s32 $0x2;
	s5 =	sadd.s32 $0xC, s4;
	s6 =	sadd.s32 $0x18, s4  }
.LBB2_1:
0x10: {  	[tilespmem:s3], [sflag:$0x2] =	stream.linear.gather [hbm4b:s4+s3], $0x60, $0x38;
	[tilespmem:$0x12280] =	vst v63  }
0x11: {  	_ =	swait.ge [sflag:s11], $0x60  }
0x12: {  	[sflag:s11] =	ssyncset.done $0x0  }
0x13: {  	[sflag:s11] =	ssyncadd.s32 $0xFFFFFFA0  }
0x14: {  	[tilespmem:s12], [sflag:$0x2] =	stream.linear.gather [hbm4b:s5+s3], $0x60, $0x38;
	[tilespmem:$0x12280] =	vst v63  }
0x15: {  	_ =	swait.ge [sflag:s11], $0x60  }
0x16: {  	[sflag:s11] =	ssyncset.done $0x0  }
0x17: {  	[sflag:s11] =	ssyncadd.s32 $0xFFFFFFA0  }
0x18: {  	[tilespmem:s13], [sflag:$0x2] =	stream.linear.gather [hbm4b:s6+s3], $0x60, $0x38;
	[tilespmem:$0x12280] =	vst v63  }
0x19: {  	_ =	swait.ge [sflag:s11], $0x60  }
0x1a: {  	[sflag:s11] =	ssyncset.done $0x0  }
0x1b: {  	[sflag:s11] =	ssyncadd.s32 $0xFFFFFFA0  }
0x1c: {  	[tilespmem:s15], [sflag:$0x1] =	stream.indirect.gather [hbm4b:s1+s14], $0x80, s3, s14, $0xb8;
	[tilespmem:$0x12280] =	vst v63  }
0x1d: {  	_ = 	snop  }
0x1e: {  	[tilespmem:s16], [sflag:$0x1] =	stream.indirect.gather [hbm4b:s1+s14], $0x80, s12, s14, $0xb8;
	[tilespmem:$0x12280] =	vst v63  }
0x1f: {  	_ = 	snop  }
0x20: {  	[tilespmem:s17], [sflag:$0x1] =	stream.indirect.gather [hbm4b:s1+s14], $0x80, s13, s14, $0xb8;
	[tilespmem:$0x12280] =	vst v63  }
0x21: {  	_ = 	snop  }
0x22: {  	[tilespmem:s18], [sflag:$0x2] =	stream.linear.gather [hbm4b:s7+s3], $0x9000, $0x38;
	[tilespmem:$0x12280] =	vst v63  }
0x23: {  	_ =	swait.ge [sflag:s11], $0x9000  }
0x24: {  	[sflag:s11] =	ssyncset.done $0x0  }
0x25: {  	[sflag:s11] =	ssyncadd.s32 $0xFFFF7000  }
0x26: {  	_ =	swait.ge [sflag:s19], $0x3000  }
0x27: {  	[sflag:s19] =	ssyncset.done $0x0  }
0x28: {  	[sflag:s19] =	ssyncadd.s32 $0xFFFFD000  }
0x29: {  	_ =	swait.ge [sflag:s19], $0x3000  }
0x2a: {  	[sflag:s19] =	ssyncset.done $0x0  }
0x2b: {  	[sflag:s19] =	ssyncadd.s32 $0xFFFFD000  }
0x2c: {  	_ =	swait.ge [sflag:s19], $0x3000  }
0x2d: {  	[sflag:s19] =	ssyncset.done $0x0  }
0x2e: {  	[sflag:s19] =	ssyncadd.s32 $0xFFFFD000  }
0x2f: {  	[hbm4b:s8+s3] =	stream.linear.scatter [tilespmem:s15], [sflag:$0x2], $0x9000, $0x38;
	[tilespmem:$0x12280] =	vst v63  }
0x30: {  	_ =	swait.ge [sflag:s11], $0x9000  }
0x31: {  	[sflag:s11] =	ssyncset.done $0x0  }
0x32: {  	s23 =	simm.s32 $0x0;
	[sflag:s11] =	ssyncadd.s32 $0xFFFF7000  }
0x33: {  	v0 =	vld [tilespmem:s23+$0x200]  }
0x34: {  	v2 =	vld [tilespmem:s23+$0x9200]  }
0x35: {  	v6 =	vld [tilespmem:s23+$0x210]  }
0x36: {  	v8 =	vld [tilespmem:s23+$0x9210]  }
0x37: {  	v1 =	vld [tilespmem:s23+$0x220]  }
0x38: {  	v4 =	vld [tilespmem:s23+$0x9220]  }
0x39: {  	v3 =	vld [tilespmem:s23+$0x9230];
	v7 =	vsub.f32 v0, v2  }
0x3a: {  	s22 =	simm.s32 $0x80;
	v0 =	vld [tilespmem:s23+$0x230]  }
0x3b: {  	v5 =	vimm.f32 $0.0e+00;
	v2 =	vld [tilespmem:s22+$0x200];
	s23 =	simm.s32 $0x400;
	v6 =	vsub.f32 v6, v8;
	v7 =	vand.u32 $0x7FFFFFFF, v7  }
.LBB2_2:
0x3c: {  	p0 =	sne.s32 s23, $0x23E00;
	v8 =	vld [tilespmem:s22+$0x9200];
	v5 =	vadd.f32 v7, v5  }
0x3d: {  	v9 =	vld [tilespmem:s22+$0x210];
	v6 =	vand.u32 $0x7FFFFFFF, v6;
	v4 =	vsub.f32 v1, v4  }
0x3e: {  	v10 =	vld [tilespmem:s22+$0x9210];
	v5 =	vadd.f32 v6, v5  }
.Ltmp0:
0x3f: {  	v1 =	vld [tilespmem:s22+$0x220];
	v6 =	vand.u32 $0x7FFFFFFF, v4;
	v3 =	vsub.f32 v0, v3;
	(pc) =	sbr.rel @p0 .LBB2_2-.Ltmp0, $4  }
0x40: {  	v4 =	vld [tilespmem:s22+$0x9220];
	v5 =	vadd.f32 v6, v5  }
0x41: {  	v6 =	vsub.f32 v2, v8;
	v0 =	vld [tilespmem:s22+$0x230];
	v2 =	vand.u32 $0x7FFFFFFF, v3  }
0x42: {  	v3 =	vld [tilespmem:s22+$0x9230];
	s22 =	sshra.s32 s23, $0x2;
	v5 =	vadd.f32 v2, v5  }
0x43: {  	s23 =	sadd.s32 $0x200, s23;
	v2 =	vld [tilespmem:s22+$0x200];
	v7 =	vand.u32 $0x7FFFFFFF, v6;
	v6 =	vsub.f32 v9, v10  }
0x44: {  	v8 =	vld [tilespmem:s22+$0x9200];
	v5 =	vadd.f32 v7, v5  }
0x45: {  	v51 =	vld [tilespmem:s22+$0x210];
	v6 =	vand.u32 $0x7FFFFFFF, v6;
	v1 =	vsub.f32 v1, v4  }
0x46: {  	v52 =	vld [tilespmem:s22+$0x9210];
	v5 =	vadd.f32 v6, v5  }
0x47: {  	v53 =	vld [tilespmem:s22+$0x220];
	v1 =	vand.u32 $0x7FFFFFFF, v1;
	v0 =	vsub.f32 v0, v3  }
0x48: {  	v54 =	vld [tilespmem:s22+$0x9220];
	v1 =	vadd.f32 v1, v5  }
0x49: {  	v55 =	vld [tilespmem:s22+$0x230];
	v2 =	vsub.f32 v2, v8;
	v0 =	vand.u32 $0x7FFFFFFF, v0  }
0x4a: {  	v56 =	vld [tilespmem:s22+$0x9230];
	v0 =	vadd.f32 v0, v1  }
0x4b: {  	v58 =	vsub.f32 v51, v52;
	v57 =	vand.u32 $0x7FFFFFFF, v2  }
0x4c: {  	v0 =	vadd.f32 v57, v0  }
0x4d: {  	v60 =	vsub.f32 v53, v54;
	v59 =	vand.u32 $0x7FFFFFFF, v58  }
0x4e: {  	v0 =	vadd.f32 v59, v0  }
0x4f: {  	v62 =	vsub.f32 v55, v56;
	v61 =	vand.u32 $0x7FFFFFFF, v60  }
0x50: {  	v0 =	vadd.f32 v61, v0  }
0x51: {  	v63 =	vand.u32 $0x7FFFFFFF, v62  }
0x52: {  	s21 =	sadd.s32 $0x1, s21;
	v0 =	vadd.f32 v63, v0  }
0x53: {  	p0 =	sne.s32 s21, s10  }
.Ltmp1:
0x54: {  	[tilespmem:$0x12200] =	vst v0;
	(pc) =	sbr.rel @p0 .LBB2_1-.Ltmp1, $4  }
0x55: {  	[hbm4b:s9+s3] =	stream.linear.scatter [tilespmem:s20], [sflag:$0x2], $0x80, $0x38;
	[tilespmem:$0x12280] =	vst v63  }
0x56: {  	_ =	swait.ge [sflag:s11], $0x80  }
0x57: {  	[sflag:s11] =	ssyncset.done $0x0  }
0x58: {  	[sflag:s11] =	ssyncadd.s32 $0xFFFFFF80  }
0x59: {  	_ =	sfence.sel $0x180000  }
0x5a: {  	[bflag:$0x0] =	sbarrier.arrive $0xFFFF  }
0x5b: {  	p0 =	sne.s32 s0, $0x0;
	_ =	strace $0x90000047  }
0x5c: {  	s0 =	sadd.s32 @!p0 $0x100000, s2;
	[bflag:$0x2] =	sbarrier.arrive $0xFFFF  }
0x5d: {  	[sflag:s0] =	ssyncadd.tile.s32 @!p0 $0x1;
	_ =	shalt  }
.Lfunc_end2:
_tile_overlayer_lowered:
.L_overlay_start_2:
0x5e: {  	(tag) =	ssettag $0x2  }
0x5f: {  	s0 =	rddreg [dreg:$0x0];
	s2 =	stileid.u32  }
0x60: {  	s1 =	rddreg [dreg:$0x1];
	p0 =	sne.s32 s2, $0x0  }
0x61: {  	s3 =	rddreg [dreg:$0x2];
	[bflag:$0x3] =	sbarrier.arrive $0xFFFF;
	s2 =	simm.s32 @!p0 $0x1C02  }
0x62: {  	[timem:s3], [sflag:s2] =	dma.local @!p0 [hbm:s0], s1  }
0x63: {  	s0 =	simm.s32 @!p0 $0x2  }
0x64: {  	_ =	swait.ge @!p0 [sflag:s0], s1  }
0x65: {  	s1 =	ssub.s32 @!p0 $0x0, s1;
	[sflag:s0] =	ssyncset.done @!p0 $0x0  }
0x66: {  	[sflag:s0] =	ssyncadd.s32 @!p0 s1  }
0x67: {  	[bflag:$0x3] =	sbarrier.arrive $0xFFFF  }
0x68: {  	_ =	shalt  }

</sc_bundles>
